<compile_context>
chip_gen: v7x
topology: tpu7x:2x2x1
jax: 0.10.2.dev20260603
libtpu: 0.0.44.dev20260713+nightly
codegen_flags: <defaults>
</compile_context>

<pallas_src>
import functools

import jax
import jax.numpy as jnp
from jax import lax
from jax.experimental import pallas as pl
from jax.experimental.pallas import tpu as pltpu
from jax.experimental.pallas import tpu_sc as plsc

_NUM_CLASSES = 1000
_BATCH = 16384
_FEAT = 100
_OUT_W = _NUM_CLASSES + _FEAT
_NC = 2
_NS = 16
_NW = _NC * _NS
_ROWS_PER_W = _BATCH // _NW
_R = 64
_CHUNKS = _ROWS_PER_W // _R
_L = 16


def _sc_body(x_hbm, zeros_hbm, out_hbm, xv, ohv):
    wid = lax.axis_index("s") * _NC + lax.axis_index("c")
    base = wid * _ROWS_PER_W

    pltpu.sync_copy(zeros_hbm, ohv)

    lanes = lax.iota(jnp.int32, _L)
    ones_v = jnp.full((_L,), 1.0, jnp.float32)
    zeros_v = jnp.zeros((_L,), jnp.float32)
    rids = [lanes + (g * _L) for g in range(_R // _L)]

    def chunk_body(c, carry):
        r0 = pl.multiple_of(base + c * _R, _R)
        pltpu.sync_copy(x_hbm.at[pl.ds(r0, _R)], xv)

        def col_body(j, carry2):
            for rid in rids:
                v = plsc.load_gather(xv, [rid, jnp.full((_L,), j, jnp.int32)])
                plsc.store_scatter(
                    ohv, [rid, jnp.full((_L,), _NUM_CLASSES + j, jnp.int32)], v)
            return carry2

        lax.fori_loop(0, _FEAT, col_body, 0)

        sels = []
        for rid in rids:
            selv = plsc.load_gather(xv, [rid, jnp.zeros((_L,), jnp.int32)])
            sel = selv.astype(jnp.int32)
            mask = (sel >= 0) & (sel < _NUM_CLASSES)
            plsc.store_scatter(ohv, [rid, sel], ones_v, mask=mask)
            sels.append((rid, sel, mask))

        pltpu.sync_copy(ohv, out_hbm.at[pl.ds(r0, _R)])

        for rid, sel, mask in sels:
            plsc.store_scatter(ohv, [rid, sel], zeros_v, mask=mask)
        return carry

    lax.fori_loop(0, _CHUNKS, chunk_body, 0)


def kernel(x):
    zeros_src = jnp.zeros((_R, _OUT_W), jnp.float32)
    mesh = plsc.VectorSubcoreMesh(core_axis_name="c", subcore_axis_name="s")
    run = functools.partial(
        pl.kernel,
        mesh=mesh,
        out_type=jax.ShapeDtypeStruct((_BATCH, _OUT_W), jnp.float32),
        scratch_types=[
            pltpu.VMEM((_R, _FEAT), jnp.float32),
            pltpu.VMEM((_R, _OUT_W), jnp.float32),
        ],
        compiler_params=pltpu.CompilerParams(needs_layout_passes=False),
    )(_sc_body)
    return run(x, zeros_src)

# --- scband reference (transcript-rebuilt; emitter-appended) ---
"""Pipeline reference for scband-one-hot-concat-module-25168508355232 (READ-ONLY COPY).

The authoritative reference and input builder live on the scoring server;
editing this copy changes nothing except your own understanding.
"""

import jax, jax.numpy as jnp
import numpy as np

X_DIM = 0
NUM_CLASSES = 1000

def setup_inputs(seed: int = 0) -> dict:
    key = jax.random.key(seed)
    x = jax.random.uniform(key, (16384, 100), dtype=jnp.float32)
    return {"x": x}

def reference(x):
    batch_size = x.shape[0]
    feature_dim = x.shape[1]
    if X_DIM < 0 or X_DIM >= feature_dim:
        raise ValueError(f'Invalid x_dim. Must be in the range [0, {feature_dim - 1}]')
    selected_feature = x[:, X_DIM].astype(jnp.int32)
    one_hot = jnp.zeros((batch_size, NUM_CLASSES), dtype=x.dtype)
    one_hot = one_hot.at[jnp.arange(batch_size), selected_feature].set(1.0)
    x_concat = jnp.concatenate([one_hot, x], axis=1)
    return x_concat

if __name__ == "__main__":
    import jax
    _d = setup_inputs()
    print(jax.jit(kernel)(*tuple(_d.values())))

</pallas_src>

<mosaic_0001>
#map = affine_map<(d0, d1) -> (0, 0)>
module attributes {stable_mosaic.version = 14 : i64} {
  func.func @_sc_body(%arg0: i32, %arg1: i32, %arg2: memref<16384x100xf32, #tpu.memory_space<hbm>>, %arg3: memref<64x1100xf32, #tpu.memory_space<hbm>>, %arg4: memref<16384x1100xf32, #tpu.memory_space<hbm>>, %arg5: memref<64x100xf32, #tpu.memory_space<vmem>>, %arg6: memref<64x1100xf32, #tpu.memory_space<vmem>>) attributes {dimension_semantics = [#tpu.dimension_semantics<core_parallel>, #tpu.dimension_semantics<subcore_parallel>], iteration_bounds = array<i64: 2, 16>, scalar_prefetch = 0 : i64, scratch_operands = 2 : i64, tpu.core_type = #tpu.core_type<sc_vector_subcore>, window_params = [{transform_indices = #map}, {transform_indices = #map}, {transform_indices = #map}]} {
    %mul3A = arith.constant 2 : i32
    %mul3A_0 = arith.muli %arg1, %mul3A : i32
    %add3A = arith.addi %mul3A_0, %arg0 : i32
    %mul3A_1 = arith.constant 512 : i32
    %mul3A_2 = arith.muli %add3A, %mul3A_1 : i32
    "tpu.region"() ({
      %run_scoped3A = tpu.sem_alloc : memref<!tpu.dma_semaphore, #tpu.memory_space<semaphore_mem>>
      tpu.enqueue_dma source(%arg3 : memref<64x1100xf32, #tpu.memory_space<hbm>>) target(%arg6 : memref<64x1100xf32, #tpu.memory_space<vmem>>) target_semaphore(%run_scoped3A : memref<!tpu.dma_semaphore, #tpu.memory_space<semaphore_mem>>)
      tpu.wait_dma2 semaphore(%run_scoped3A : memref<!tpu.dma_semaphore, #tpu.memory_space<semaphore_mem>>) src(%arg3 : memref<64x1100xf32, #tpu.memory_space<hbm>>) dst(%arg6 : memref<64x1100xf32, #tpu.memory_space<vmem>>)
      tpu.yield
    }) : () -> ()
    %iota3A = tpu.iota {dimensions = array<i32: 0>} : vector<16xi32>
    %broadcast_in_dim3A = arith.constant 1.000000e+00 : f32
    %broadcast_in_dim3A_3 = vector.broadcast %broadcast_in_dim3A : f32 to vector<16xf32>
    %broadcast_in_dim3A_4 = arith.constant 0.000000e+00 : f32
    %broadcast_in_dim3A_5 = vector.broadcast %broadcast_in_dim3A_4 : f32 to vector<16xf32>
    %add3A_6 = arith.constant 0 : i32
    %add3A_7 = vector.broadcast %add3A_6 : i32 to vector<16xi32>
    %add3A_8 = arith.addi %iota3A, %add3A_7 : vector<16xi32>
    %add3A_9 = arith.constant 16 : i32
    %add3A_10 = vector.broadcast %add3A_9 : i32 to vector<16xi32>
    %add3A_11 = arith.addi %iota3A, %add3A_10 : vector<16xi32>
    %add3A_12 = arith.constant 32 : i32
    %add3A_13 = vector.broadcast %add3A_12 : i32 to vector<16xi32>
    %add3A_14 = arith.addi %iota3A, %add3A_13 : vector<16xi32>
    %add3A_15 = arith.constant 48 : i32
    %add3A_16 = vector.broadcast %add3A_15 : i32 to vector<16xi32>
    %add3A_17 = arith.addi %iota3A, %add3A_16 : vector<16xi32>
    %scan3A = arith.constant 0 : i32
    %scan3A_18 = arith.constant 0 : i32
    %scan3A_19 = arith.constant 8 : i32
    %scan3A_20 = arith.addi %scan3A_18, %scan3A_19 : i32
    %scan3A_21 = arith.constant 1 : i32
    scf.for %scan3A_23 = %scan3A_18 to %scan3A_20 step %scan3A_21  : i32 {
      %mul3A_24 = arith.constant 64 : i32
      %mul3A_25 = arith.muli %scan3A_23, %mul3A_24 : i32
      %add3A_26 = arith.addi %mul3A_2, %mul3A_25 : i32
      %multiple_of3A = tpu.assume_multiple %add3A_26, 64 : i32
      "tpu.region"() ({
        %run_scoped3A = tpu.sem_alloc : memref<!tpu.dma_semaphore, #tpu.memory_space<semaphore_mem>>
        %dma_start3A = arith.constant 0 : i32
        %dma_start3A_72 = tpu.memref_slice %arg2[%multiple_of3A, %dma_start3A] : memref<16384x100xf32, #tpu.memory_space<hbm>> -> memref<64x100xf32, #tpu.memory_space<hbm>>
        %dma_start3A_73 = arith.constant 0 : i32
        %dma_start3A_74 = tpu.memref_slice %arg2[%multiple_of3A, %dma_start3A_73] : memref<16384x100xf32, #tpu.memory_space<hbm>> -> memref<64x100xf32, #tpu.memory_space<hbm>>
        tpu.enqueue_dma source(%dma_start3A_74 : memref<64x100xf32, #tpu.memory_space<hbm>>) target(%arg5 : memref<64x100xf32, #tpu.memory_space<vmem>>) target_semaphore(%run_scoped3A : memref<!tpu.dma_semaphore, #tpu.memory_space<semaphore_mem>>)
        %dma_wait3A = arith.constant 0 : i32
        %dma_wait3A_75 = tpu.memref_slice %arg2[%multiple_of3A, %dma_wait3A] : memref<16384x100xf32, #tpu.memory_space<hbm>> -> memref<64x100xf32, #tpu.memory_space<hbm>>
        %dma_wait3A_76 = arith.constant 0 : i32
        %dma_wait3A_77 = tpu.memref_slice %arg2[%multiple_of3A, %dma_wait3A_76] : memref<16384x100xf32, #tpu.memory_space<hbm>> -> memref<64x100xf32, #tpu.memory_space<hbm>>
        tpu.wait_dma2 semaphore(%run_scoped3A : memref<!tpu.dma_semaphore, #tpu.memory_space<semaphore_mem>>) src(%dma_wait3A_77 : memref<64x100xf32, #tpu.memory_space<hbm>>) dst(%arg5 : memref<64x100xf32, #tpu.memory_space<vmem>>)
        tpu.yield
      }) : () -> ()
      %scan3A_27 = arith.constant 0 : i32
      %scan3A_28 = arith.constant 0 : i32
      %scan3A_29 = arith.constant 100 : i32
      %scan3A_30 = arith.addi %scan3A_28, %scan3A_29 : i32
      %scan3A_31 = arith.constant 1 : i32
      scf.for %scan3A_72 = %scan3A_28 to %scan3A_30 step %scan3A_31  : i32 {
        %broadcast_in_dim3A_73 = vector.broadcast %scan3A_72 : i32 to vector<16xi32>
        %gather3A_74 = tpu.vector_load_idx %arg5[%add3A_8, %broadcast_in_dim3A_73] : memref<64x100xf32, #tpu.memory_space<vmem>>[vector<16xi32>, vector<16xi32>], vector<16xf32>,
        %add3A_75 = arith.constant 1000 : i32
        %add3A_76 = arith.addi %add3A_75, %scan3A_72 : i32
        %broadcast_in_dim3A_77 = vector.broadcast %add3A_76 : i32 to vector<16xi32>
        tpu.vector_store_idx %arg6[%add3A_8, %broadcast_in_dim3A_77], %gather3A_74 : memref<64x1100xf32, #tpu.memory_space<vmem>>[vector<16xi32>, vector<16xi32>], vector<16xf32>,
        %broadcast_in_dim3A_78 = vector.broadcast %scan3A_72 : i32 to vector<16xi32>
        %gather3A_79 = tpu.vector_load_idx %arg5[%add3A_11, %broadcast_in_dim3A_78] : memref<64x100xf32, #tpu.memory_space<vmem>>[vector<16xi32>, vector<16xi32>], vector<16xf32>,
        %add3A_80 = arith.constant 1000 : i32
        %add3A_81 = arith.addi %add3A_80, %scan3A_72 : i32
        %broadcast_in_dim3A_82 = vector.broadcast %add3A_81 : i32 to vector<16xi32>
        tpu.vector_store_idx %arg6[%add3A_11, %broadcast_in_dim3A_82], %gather3A_79 : memref<64x1100xf32, #tpu.memory_space<vmem>>[vector<16xi32>, vector<16xi32>], vector<16xf32>,
        %broadcast_in_dim3A_83 = vector.broadcast %scan3A_72 : i32 to vector<16xi32>
        %gather3A_84 = tpu.vector_load_idx %arg5[%add3A_14, %broadcast_in_dim3A_83] : memref<64x100xf32, #tpu.memory_space<vmem>>[vector<16xi32>, vector<16xi32>], vector<16xf32>,
        %add3A_85 = arith.constant 1000 : i32
        %add3A_86 = arith.addi %add3A_85, %scan3A_72 : i32
        %broadcast_in_dim3A_87 = vector.broadcast %add3A_86 : i32 to vector<16xi32>
        tpu.vector_store_idx %arg6[%add3A_14, %broadcast_in_dim3A_87], %gather3A_84 : memref<64x1100xf32, #tpu.memory_space<vmem>>[vector<16xi32>, vector<16xi32>], vector<16xf32>,
        %broadcast_in_dim3A_88 = vector.broadcast %scan3A_72 : i32 to vector<16xi32>
        %gather3A_89 = tpu.vector_load_idx %arg5[%add3A_17, %broadcast_in_dim3A_88] : memref<64x100xf32, #tpu.memory_space<vmem>>[vector<16xi32>, vector<16xi32>], vector<16xf32>,
        %add3A_90 = arith.constant 1000 : i32
        %add3A_91 = arith.addi %add3A_90, %scan3A_72 : i32
        %broadcast_in_dim3A_92 = vector.broadcast %add3A_91 : i32 to vector<16xi32>
        tpu.vector_store_idx %arg6[%add3A_17, %broadcast_in_dim3A_92], %gather3A_89 : memref<64x1100xf32, #tpu.memory_space<vmem>>[vector<16xi32>, vector<16xi32>], vector<16xf32>,
      }
      %scan3A_32 = arith.constant 100 : i32
      %broadcast_in_dim3A_33 = arith.constant 0 : i32
      %broadcast_in_dim3A_34 = vector.broadcast %broadcast_in_dim3A_33 : i32 to vector<16xi32>
      %gather3A = tpu.vector_load_idx %arg5[%add3A_8, %broadcast_in_dim3A_34] : memref<64x100xf32, #tpu.memory_space<vmem>>[vector<16xi32>, vector<16xi32>], vector<16xf32>,
      %convert_element_type3A = arith.fptosi %gather3A : vector<16xf32> to vector<16xi32>
      %ge3A = arith.constant 0 : i32
      %ge3A_35 = vector.broadcast %ge3A : i32 to vector<16xi32>
      %ge3A_36 = arith.cmpi sge, %convert_element_type3A, %ge3A_35 : vector<16xi32>
      %lt3A = arith.constant 1000 : i32
      %lt3A_37 = vector.broadcast %lt3A : i32 to vector<16xi32>
      %lt3A_38 = arith.cmpi slt, %convert_element_type3A, %lt3A_37 : vector<16xi32>
      %and3A = arith.andi %ge3A_36, %lt3A_38 : vector<16xi1>
      tpu.vector_store_idx %arg6[%add3A_8, %convert_element_type3A], %broadcast_in_dim3A_3 masked %and3A : memref<64x1100xf32, #tpu.memory_space<vmem>>[vector<16xi32>, vector<16xi32>], vector<16xf32>, vector<16xi1>
      %broadcast_in_dim3A_39 = arith.constant 0 : i32
      %broadcast_in_dim3A_40 = vector.broadcast %broadcast_in_dim3A_39 : i32 to vector<16xi32>
      %gather3A_41 = tpu.vector_load_idx %arg5[%add3A_11, %broadcast_in_dim3A_40] : memref<64x100xf32, #tpu.memory_space<vmem>>[vector<16xi32>, vector<16xi32>], vector<16xf32>,
      %convert_element_type3A_42 = arith.fptosi %gather3A_41 : vector<16xf32> to vector<16xi32>
      %ge3A_43 = arith.constant 0 : i32
      %ge3A_44 = vector.broadcast %ge3A_43 : i32 to vector<16xi32>
      %ge3A_45 = arith.cmpi sge, %convert_element_type3A_42, %ge3A_44 : vector<16xi32>
      %lt3A_46 = arith.constant 1000 : i32
      %lt3A_47 = vector.broadcast %lt3A_46 : i32 to vector<16xi32>
      %lt3A_48 = arith.cmpi slt, %convert_element_type3A_42, %lt3A_47 : vector<16xi32>
      %and3A_49 = arith.andi %ge3A_45, %lt3A_48 : vector<16xi1>
      tpu.vector_store_idx %arg6[%add3A_11, %convert_element_type3A_42], %broadcast_in_dim3A_3 masked %and3A_49 : memref<64x1100xf32, #tpu.memory_space<vmem>>[vector<16xi32>, vector<16xi32>], vector<16xf32>, vector<16xi1>
      %broadcast_in_dim3A_50 = arith.constant 0 : i32
      %broadcast_in_dim3A_51 = vector.broadcast %broadcast_in_dim3A_50 : i32 to vector<16xi32>
      %gather3A_52 = tpu.vector_load_idx %arg5[%add3A_14, %broadcast_in_dim3A_51] : memref<64x100xf32, #tpu.memory_space<vmem>>[vector<16xi32>, vector<16xi32>], vector<16xf32>,
      %convert_element_type3A_53 = arith.fptosi %gather3A_52 : vector<16xf32> to vector<16xi32>
      %ge3A_54 = arith.constant 0 : i32
      %ge3A_55 = vector.broadcast %ge3A_54 : i32 to vector<16xi32>
      %ge3A_56 = arith.cmpi sge, %convert_element_type3A_53, %ge3A_55 : vector<16xi32>
      %lt3A_57 = arith.constant 1000 : i32
      %lt3A_58 = vector.broadcast %lt3A_57 : i32 to vector<16xi32>
      %lt3A_59 = arith.cmpi slt, %convert_element_type3A_53, %lt3A_58 : vector<16xi32>
      %and3A_60 = arith.andi %ge3A_56, %lt3A_59 : vector<16xi1>
      tpu.vector_store_idx %arg6[%add3A_14, %convert_element_type3A_53], %broadcast_in_dim3A_3 masked %and3A_60 : memref<64x1100xf32, #tpu.memory_space<vmem>>[vector<16xi32>, vector<16xi32>], vector<16xf32>, vector<16xi1>
      %broadcast_in_dim3A_61 = arith.constant 0 : i32
      %broadcast_in_dim3A_62 = vector.broadcast %broadcast_in_dim3A_61 : i32 to vector<16xi32>
      %gather3A_63 = tpu.vector_load_idx %arg5[%add3A_17, %broadcast_in_dim3A_62] : memref<64x100xf32, #tpu.memory_space<vmem>>[vector<16xi32>, vector<16xi32>], vector<16xf32>,
      %convert_element_type3A_64 = arith.fptosi %gather3A_63 : vector<16xf32> to vector<16xi32>
      %ge3A_65 = arith.constant 0 : i32
      %ge3A_66 = vector.broadcast %ge3A_65 : i32 to vector<16xi32>
      %ge3A_67 = arith.cmpi sge, %convert_element_type3A_64, %ge3A_66 : vector<16xi32>
      %lt3A_68 = arith.constant 1000 : i32
      %lt3A_69 = vector.broadcast %lt3A_68 : i32 to vector<16xi32>
      %lt3A_70 = arith.cmpi slt, %convert_element_type3A_64, %lt3A_69 : vector<16xi32>
      %and3A_71 = arith.andi %ge3A_67, %lt3A_70 : vector<16xi1>
      tpu.vector_store_idx %arg6[%add3A_17, %convert_element_type3A_64], %broadcast_in_dim3A_3 masked %and3A_71 : memref<64x1100xf32, #tpu.memory_space<vmem>>[vector<16xi32>, vector<16xi32>], vector<16xf32>, vector<16xi1>
      "tpu.region"() ({
        %run_scoped3A = tpu.sem_alloc : memref<!tpu.dma_semaphore, #tpu.memory_space<semaphore_mem>>
        %dma_start3A = arith.constant 0 : i32
        %dma_start3A_72 = tpu.memref_slice %arg4[%multiple_of3A, %dma_start3A] : memref<16384x1100xf32, #tpu.memory_space<hbm>> -> memref<64x1100xf32, #tpu.memory_space<hbm>>
        %dma_start3A_73 = arith.constant 0 : i32
        %dma_start3A_74 = tpu.memref_slice %arg4[%multiple_of3A, %dma_start3A_73] : memref<16384x1100xf32, #tpu.memory_space<hbm>> -> memref<64x1100xf32, #tpu.memory_space<hbm>>
        tpu.enqueue_dma source(%arg6 : memref<64x1100xf32, #tpu.memory_space<vmem>>) target(%dma_start3A_74 : memref<64x1100xf32, #tpu.memory_space<hbm>>) target_semaphore(%run_scoped3A : memref<!tpu.dma_semaphore, #tpu.memory_space<semaphore_mem>>)
        %dma_wait3A = arith.constant 0 : i32
        %dma_wait3A_75 = tpu.memref_slice %arg4[%multiple_of3A, %dma_wait3A] : memref<16384x1100xf32, #tpu.memory_space<hbm>> -> memref<64x1100xf32, #tpu.memory_space<hbm>>
        %dma_wait3A_76 = arith.constant 0 : i32
        %dma_wait3A_77 = tpu.memref_slice %arg4[%multiple_of3A, %dma_wait3A_76] : memref<16384x1100xf32, #tpu.memory_space<hbm>> -> memref<64x1100xf32, #tpu.memory_space<hbm>>
        tpu.wait_dma2 semaphore(%run_scoped3A : memref<!tpu.dma_semaphore, #tpu.memory_space<semaphore_mem>>) src(%arg6 : memref<64x1100xf32, #tpu.memory_space<vmem>>) dst(%dma_wait3A_77 : memref<64x1100xf32, #tpu.memory_space<hbm>>)
        tpu.yield
      }) : () -> ()
      tpu.vector_store_idx %arg6[%add3A_8, %convert_element_type3A], %broadcast_in_dim3A_5 masked %and3A : memref<64x1100xf32, #tpu.memory_space<vmem>>[vector<16xi32>, vector<16xi32>], vector<16xf32>, vector<16xi1>
      tpu.vector_store_idx %arg6[%add3A_11, %convert_element_type3A_42], %broadcast_in_dim3A_5 masked %and3A_49 : memref<64x1100xf32, #tpu.memory_space<vmem>>[vector<16xi32>, vector<16xi32>], vector<16xf32>, vector<16xi1>
      tpu.vector_store_idx %arg6[%add3A_14, %convert_element_type3A_53], %broadcast_in_dim3A_5 masked %and3A_60 : memref<64x1100xf32, #tpu.memory_space<vmem>>[vector<16xi32>, vector<16xi32>], vector<16xf32>, vector<16xi1>
      tpu.vector_store_idx %arg6[%add3A_17, %convert_element_type3A_64], %broadcast_in_dim3A_5 masked %and3A_71 : memref<64x1100xf32, #tpu.memory_space<vmem>>[vector<16xi32>, vector<16xi32>], vector<16xf32>, vector<16xi1>
    }
    %scan3A_22 = arith.constant 8 : i32
    return
  }
}

</mosaic_0001>

<sc_bundles>
// kernel: kernel.3.cloned.1.call-start
scs
__scs_entry_jumppad:
0x0: {  	(pc) =	sbr.rel $0x88, $3  }
0x1: {  	(tag) =	ssettag $0x0;
	lr =	simm.s32 $0x1  }
0x2: {  	[smem:$0x3FA0] =	sst lr;
	_ =	strace $0xD0000000  }
0x3: {  	_ = 	snop  }
0x4: {  	_ = 	snop  }
0x5: {  	_ = 	snop  }
0x6: {  	_ = 	snop  }
0x7: {  	_ = 	snop  }
__scs_overlays_trampoline_lowered:
0x8: {  	[smem:$0x3FAF] =	sst s0  }
0x9: {  	[smem:$0x3FB0] =	sst s1  }
0xa: {  	[smem:$0x3FB1] =	sst s2  }
0xb: {  	[smem:$0x3FB2] =	sst s3  }
0xc: {  	[smem:$0x3FB3] =	sst s4  }
0xd: {  	[smem:$0x3FB4] =	sst s5  }
0xe: {  	[smem:$0x3FB5] =	sst s6  }
0xf: {  	[smem:$0x3FB6] =	sst s7  }
0x10: {  	[smem:$0x3FB7] =	sst s8  }
0x11: {  	[smem:$0x3FB8] =	sst s9;
	s0 =	simm.s32 @!p0 $0x0  }
0x12: {  	s1 =	sld [smem:$0x3F9E];
	s0 =	simm.s32 @p0 $0x1  }
0x13: {  	[smem:$0x3FB9] =	sst s0;
	s0 =	simm.s32 @!p1 $0x0  }
0x14: {  	s2 =	sld [smem:$0x3F9D];
	s0 =	simm.s32 @p1 $0x1  }
0x15: {  	[smem:$0x3FBA] =	sst s0;
	s0 =	simm.s32 @!p2 $0x0  }
0x16: {  	s3 =	sld [smem:$0x3FDB];
	s0 =	simm.s32 @p2 $0x1  }
0x17: {  	s4 =	simm.s32 $0x1BF5;
	[smem:$0x3FBC] =	sst s0  }
0x18: {  	s0 =	sld [smem:$0x3F9F];
	_ =	swait.ge [sflag:s4], $0x0  }
0x19: {  	s7 =	sld [smem:$0x3FA0]  }
0x1a: {  	s8 =	sadd.s32 $0xFFFFE003, lr  }
0x1b: {  	s9 =	sadd.s32 $0xFFFFFEF7, lr;
	s5 =	simm.s32 $0xFFFFFFFF;
	p2 =	slt.u32 s8, $0xFFFFF086  }
0x1c: {  	p1 =	slt.u32 s9, $0xF7A;
	s5 =	simm.s32 @!p2 $0x0  }
0x1d: {  	s5 =	simm.s32 @p1 $0x1;
	p0 =	seq.s32 s7, s2  }
0x1e: {  	s7 =	smul.u32 @!p0 $0xF7A, s2;
	p2 =	seq.s32 @!p0 s5, $0x0  }
0x1f: {  	s9 =	smul.u32 $0xF7A, s1;
	s8 =	simm.s32 @!p0 $0x1BF5;
	p2 =	por !p2, p0  }
0x20: {  	[sflag:s8] =	ssyncset.s32 @!p0 $0xFFFFF086;
	s6 =	sadd.s32 @!p0 s3, s7;
	s7 =	simm.s32 @!p0 $0x108  }
0x21: {  	s3 =	sadd.s32 s3, s9;
	s6 =	sadd.s32 @!p0 $0x88, s6;
	s7 =	simm.s32 @p2 $0x1082  }
0x22: {  	[simem:s7], [sflag:s8] =	dma.local @!p0 [hbm:s6], $0xF7A  }
0x23: {  	s9 =	sor.u32 $0xD0000000, s2;
	s6 =	simm.s32 $0x108;
	_ =	swait.ge @!p0 [sflag:s8], $0x0  }
0x24: {  	s3 =	sadd.s32 $0x88, s3;
	s6 =	simm.s32 @!p1 $0x1082;
	[sflag:s4] =	ssyncset.s32 $0xFFFFF086  }
0x25: {  	[simem:s6], [sflag:s4] =	dma.local [hbm:s3], $0xF7A  }
0x26: {  	[smem:$0x3FA0] =	sst s1;
	(tag) =	ssettag s2;
	_ =	strace s9  }
0x27: {  	s1 =	sld [smem:$0x3FB0]  }
0x28: {  	s2 =	sld [smem:$0x3FB1]  }
0x29: {  	s4 =	sld [smem:$0x3FB3]  }
0x2a: {  	p0 =	seq.s32 s5, $0x0;
	s5 =	sld [smem:$0x3FB4]  }
0x2b: {  	s6 =	sld [smem:$0x3FB5]  }
0x2c: {  	s7 =	sld [smem:$0x3FB6]  }
0x2d: {  	s3 =	simm.s32 $0x108;
	s8 =	sld [smem:$0x3FB7]  }
0x2e: {  	s3 =	simm.s32 @!p0 $0x1082;
	s9 =	sld [smem:$0x3FB8]  }
0x2f: {  	lr =	sadd.s32 s0, s3;
	s0 =	sld [smem:$0x3FAF]  }
0x30: {  	s3 =	sld [smem:$0x3FB2]  }
0x31: {  	[smem:$0x3FBB] =	sst s10  }
0x32: {  	s10 =	sld [smem:$0x3FB9];
	_ =	sdelay $0x3  }
0x33: {  	p0 =	seq.s32 s10, $0x1;
	s10 =	sld [smem:$0x3FBB];
	_ =	sdelay $0x3  }
0x34: {  	[smem:$0x3FBB] =	sst s10  }
0x35: {  	s10 =	sld [smem:$0x3FBA];
	_ =	sdelay $0x3  }
0x36: {  	p1 =	seq.s32 s10, $0x1;
	s10 =	sld [smem:$0x3FBB];
	_ =	sdelay $0x3  }
0x37: {  	[smem:$0x3FBB] =	sst s10  }
0x38: {  	s10 =	sld [smem:$0x3FBC]  }
0x39: {  	_ = 	snop;
	(pc) =	sbr.ind lr, $3  }
0x3a: {  	_ = 	snop  }
0x3b: {  	_ = 	snop  }
0x3c: {  	p2 =	seq.s32 s10, $0x1;
	s10 =	sld [smem:$0x3FBB]  }
0x3d: {  	_ =	shalt  }
0x3e: {  	_ =	shalt  }
0x3f: {  	_ =	shalt  }
0x40: {  	_ =	shalt  }
0x41: {  	_ =	shalt  }
0x42: {  	_ =	shalt  }
0x43: {  	_ =	shalt  }
0x44: {  	_ =	shalt  }
0x45: {  	_ =	shalt  }
0x46: {  	_ =	shalt  }
0x47: {  	_ =	shalt  }
0x48: {  	_ =	shalt  }
0x49: {  	_ =	shalt  }
0x4a: {  	_ =	shalt  }
0x4b: {  	_ =	shalt  }
0x4c: {  	_ =	shalt  }
0x4d: {  	_ =	shalt  }
0x4e: {  	_ =	shalt  }
0x4f: {  	_ =	shalt  }
0x50: {  	_ =	shalt  }
0x51: {  	_ =	shalt  }
0x52: {  	_ =	shalt  }
0x53: {  	_ =	shalt  }
0x54: {  	_ =	shalt  }
0x55: {  	_ =	shalt  }
0x56: {  	_ =	shalt  }
0x57: {  	_ =	shalt  }
0x58: {  	_ =	shalt  }
0x59: {  	_ =	shalt  }
0x5a: {  	_ =	shalt  }
0x5b: {  	_ =	shalt  }
0x5c: {  	_ =	shalt  }
0x5d: {  	_ =	shalt  }
0x5e: {  	_ =	shalt  }
0x5f: {  	_ =	shalt  }
0x60: {  	_ =	shalt  }
0x61: {  	_ =	shalt  }
0x62: {  	_ =	shalt  }
0x63: {  	_ =	shalt  }
0x64: {  	_ =	shalt  }
0x65: {  	_ =	shalt  }
0x66: {  	_ =	shalt  }
0x67: {  	_ =	shalt  }
0x68: {  	_ =	shalt  }
0x69: {  	_ =	shalt  }
0x6a: {  	_ =	shalt  }
0x6b: {  	_ =	shalt  }
0x6c: {  	_ =	shalt  }
0x6d: {  	_ =	shalt  }
0x6e: {  	_ =	shalt  }
0x6f: {  	_ =	shalt  }
0x70: {  	_ =	shalt  }
0x71: {  	_ =	shalt  }
0x72: {  	_ =	shalt  }
0x73: {  	_ =	shalt  }
0x74: {  	_ =	shalt  }
0x75: {  	_ =	shalt  }
0x76: {  	_ =	shalt  }
0x77: {  	_ =	shalt  }
0x78: {  	_ =	shalt  }
0x79: {  	_ =	shalt  }
0x7a: {  	_ =	shalt  }
0x7b: {  	_ =	shalt  }
0x7c: {  	_ =	shalt  }
0x7d: {  	_ =	shalt  }
0x7e: {  	_ =	shalt  }
0x7f: {  	_ =	shalt  }
0x80: {  	_ =	shalt  }
0x81: {  	_ =	shalt  }
0x82: {  	_ =	shalt  }
0x83: {  	_ =	shalt  }
0x84: {  	_ =	shalt  }
0x85: {  	_ =	shalt  }
0x86: {  	_ =	shalt  }
0x87: {  	_ =	shalt  }
.Lfunc_end0:
.L_simem_size_0:
called_computation_lowered:
.L_overlay_start_0:
0x88: {  	s2 =	sld [smem:$0x3FD9]  }
0x89: {  	s3 =	sld [smem:$0x3FFE];
	_ =	sdelay $0x1  }
0x8a: {  	s1 =	srdreg.scid  }
0x8b: {  	s0 =	sand.u32 $0x1, s1  }
0x8c: {  	s17 =	sshll.u32 s0, $0xA;
	s2 =	sadd.s32 s3, s2  }
0x8d: {  	s2 =	sadd.s32 s2, s17  }
0x8e: {  	[smem:$0x3FC7] =	sst s2  }
0x8f: {  	_ = 	snop  }
0x90: {  	s2 =	sld [smem:$0x3FD0];
	(tm) =	ssettm $0x1  }
0x91: {  	s18 =	sld [smem:$0x3FFB];
	_ =	sdelay $0x3  }
0x92: {  	_ =	strace s18  }
0x93: {  	s3 =	sld [smem:$0x3FFC];
	_ =	sdelay $0x3  }
0x94: {  	_ =	strace s3  }
0x95: {  	s3 =	sld [smem:$0x3FFD];
	_ =	sdelay $0x3  }
0x96: {  	_ =	strace s3  }
0x97: {  	_ =	strace $0x8FFFFFFF  }
0x98: {  	s19 =	sld [smem:$0x3FDB];
	_ =	sdelay $0x1  }
0x99: {  	s4 =	simm.s32 $_scs_section_size  }
0x9a: {  	s5 =	simm.s32 $_size__tile_overlayer_lowered;
	s6 =	simm.s32 $_tile_overlayer_lowered  }
0x9b: {  	s22 =	simm.s32 $0x1BFF;
	s21 =	sshll.u32 s6, $0x1;
	s3 =	sadd.s32 s4, s19  }
0x9c: {  	s7 =	simm.s32 $0x0;
	s20 =	sshll.u32 s5, $0x1;
	s5 =	sadd.s32 s21, s3  }
0x9d: {  	[timem:s7], [sflag:s22] =	dma.local [hbm:s5], s20  }
0x9e: {  	_ =	swait.ge [sflag:s22], s20  }
0x9f: {  	s4 =	ssub.s32 $0x0, s20;
	[sflag:s22] =	ssyncset.done $0x0  }
0xa0: {  	[sflag:s22] =	ssyncadd.s32 s4;
	_ =	sdelay $0x1  }
0xa1: {  	s23 =	simm.s32 $0x1B8B  }
0xa2: {  	_ =	swait.ge [sflag:s23], $0x1  }
0xa3: {  	[sflag:s23] =	ssyncset.done $0x0  }
0xa4: {  	s25 =	simm.s32 $0x1B8E;
	s24 =	sld [smem:$0x3FFE];
	[sflag:s23] =	ssyncadd.s32 $0xFFFFFFFF  }
0xa5: {  	s26 =	simm.s32 $execute0_lowered;
	[smem:$0x3FD2] =	sst s25  }
0xa6: {  	s5 =	sshll.u32 s26, $0x1;
	_ =	strace $0x80000046;
	[dreg:$0x1] =	wrdreg $0xFFFFFFFF  }
0xa7: {  	s28 =	simm.s32 $_size_execute0_lowered;
	s3 =	sadd.s32 s3, s5;
	[dreg:$0x0] =	wrdreg $0x0  }
0xa8: {  	s5 =	sshll.u32 s28, $0x1;
	[dreg:$0x2] =	wrdreg s3  }
0xa9: {  	[dreg:$0x3] =	wrdreg s5  }
0xaa: {  	[dreg:$0x4] =	wrdreg $0xC0  }
0xab: {  	_ =	task [dreg:s7], $0x5FFFF  }
0xac: {  	[dreg:$0x1] =	wrdreg $0xFFFFFFFF  }
0xad: {  	[dreg:$0x0] =	wrdreg $0x60  }
0xae: {  	[dreg:$0x2] =	wrdreg s2  }
0xaf: {  	[dreg:$0x3] =	wrdreg s24  }
0xb0: {  	[dreg:$0x4] =	wrdreg $0x9  }
0xb1: {  	_ =	task.clear_ibuf [dreg:s7], $0x5FFFF;
	_ =	strace $0x90000046  }
0xb2: {  	s29 =	simm.s32 $0x9;
	_ =	strace $0x80000048  }
0xb3: {  	_ =	swait.ge [sflag:s29], $0x1  }
0xb4: {  	[sflag:s29] =	ssyncadd.s32 $0xFFFFFFFF  }
0xb5: {  	_ =	strace $0x90000048  }
0xb6: {  	_ =	sfence  }
0xb7: {  	s30 =	sld [smem:$0x0];
	_ =	sdelay $0x2  }
0xb8: {  	s31 =	sshll.u32 s1, $0xD;
	s1 =	sshrl.u32 s1, $0x2  }
0xb9: {  	s3 =	sand.u32 $0x4000, s31;
	s1 =	sadd.s32 s1, s30  }
0xba: {  	s0 =	sor.u32 s3, s0;
	s1 =	sshll.u32 s1, $0x11  }
0xbb: {  	s0 =	sor.u32 s1, s0  }
0xbc: {  	s0 =	sadd.s32 $0x8F2B, s0  }
0xbd: {  	[sflag:s0] =	ssyncadd.remote.s32 $0x1  }
0xbe: {  	_ =	sfence.sel $0xFFFF  }
0xbf: {  	[dreg:$0x0] =	wrdreg $0xFFFFFFFF;
	(pc) =	sbr.abs _section_cstart, $3  }
0xc0: {  	[dreg:$0x1] =	wrdreg $0xFFFFFFFF  }
0xc1: {  	_ =	task.clear_ibuf [dreg:s7], $0x2FFFF;
	_ =	strace $0x9FFFFFFF  }
0xc2: {  	(tm) =	ssettm $0x7FFFFFFF  }
0xc3: {  	_ =	shalt  }
tec
execute0_lowered:
.L_overlay_start_1:
0x0: {  	(tag) =	ssettag $0x1  }
0x1: {  	v0 =	vimm.s32 $0x2780;
	vm14 =	vcmask $0x300  }
0x2: {  	vm13 =	vcmask $0x704;
	vm12 =	vcmask $0xB08;
	v0 =	vsel vm14, $0x0, v0  }
0x3: {  	vm11 =	vcmask $0xF0C;
	vm10 =	vcmask $0x1310;
	v0 =	vsel vm13, $0x80, v0  }
0x4: {  	vm9 =	vcmask $0x1714;
	vm8 =	vcmask $0x1B18;
	v0 =	vsel vm12, $0x100, v0  }
0x5: {  	vm7 =	vcmask $0x1F1C;
	vm6 =	vcmask $0x2320;
	v0 =	vsel vm11, $0x180, v0  }
0x6: {  	vm5 =	vcmask $0x2724;
	vm4 =	vcmask $0x2B28;
	v0 =	vsel vm10, $0x200, v0  }
0x7: {  	vm3 =	vcmask $0x2F2C;
	v1 =	vlaneseq.u32;
	v0 =	vsel vm9, $0x280, v0  }
0x8: {  	vm2 =	vcmask $0x3330;
	vm1 =	vcmask $0x3734;
	v0 =	vsel vm8, $0x300, v0  }
0x9: {  	vm0 =	vcmask $0x3B38;
	v4 =	vimm.s32 $0xB780;
	v0 =	vsel vm7, $0x380, v0  }
0xa: {  	v5 =	vimm.s32 $0xFF80;
	v8 =	vimm.f32 $1.000000000e+00;
	v0 =	vsel vm6, $0x2400, v0  }
0xb: {  	v9 =	vimm.f32 $0.0e+00;
	v4 =	vsel vm14, $0x9000, v4;
	v0 =	vsel vm5, $0x2480, v0  }
0xc: {  	v5 =	vsel vm14, $0xD800, v5;
	v4 =	vsel vm13, $0x9080, v4;
	v0 =	vsel vm4, $0x2500, v0  }
0xd: {  	v5 =	vsel vm13, $0xD880, v5;
	v4 =	vsel vm12, $0x9100, v4;
	v2 =	vsel vm3, $0x2580, v0  }
0xe: {  	v0 =	vmul.u32 $0x80, v1;
	v1 =	vsel vm2, $0x2600, v2;
	v2 =	vimm.s32 $0x6F80  }
0xf: {  	v5 =	vsel vm12, $0xD900, v5;
	v4 =	vsel vm11, $0x9180, v4;
	v3 =	vsel vm14, $0x4800, v2  }
0x10: {  	v5 =	vsel vm11, $0xD980, v5;
	v4 =	vsel vm10, $0x9200, v4;
	v3 =	vsel vm13, $0x4880, v3  }
0x11: {  	v5 =	vsel vm10, $0xDA00, v5;
	v4 =	vsel vm9, $0x9280, v4;
	v3 =	vsel vm12, $0x4900, v3  }
0x12: {  	v5 =	vsel vm9, $0xDA80, v5;
	v4 =	vsel vm8, $0x9300, v4;
	v3 =	vsel vm11, $0x4980, v3  }
0x13: {  	v5 =	vsel vm8, $0xDB00, v5;
	v4 =	vsel vm7, $0x9380, v4;
	v3 =	vsel vm10, $0x4A00, v3  }
0x14: {  	v5 =	vsel vm7, $0xDB80, v5;
	v4 =	vsel vm6, $0xB400, v4;
	v3 =	vsel vm9, $0x4A80, v3  }
0x15: {  	s0 =	rddreg [dreg:$0x0];
	v5 =	vsel vm6, $0xFC00, v5;
	v4 =	vsel vm5, $0xB480, v4;
	v3 =	vsel vm8, $0x4B00, v3  }
0x16: {  	s5 =	rddreg [dreg:$0x1];
	v5 =	vsel vm5, $0xFC80, v5;
	v4 =	vsel vm4, $0xB500, v4;
	v3 =	vsel vm7, $0x4B80, v3  }
0x17: {  	s1 =	rddreg [dreg:$0x2];
	v5 =	vsel vm4, $0xFD00, v5;
	v4 =	vsel vm3, $0xB580, v4;
	v3 =	vsel vm6, $0x6C00, v3  }
0x18: {  	s2 =	simm.s32 $0x0;
	s3 =	srdreg.scid;
	s9 =	simm.s32 $0x1;
	v5 =	vsel vm3, $0xFD80, v5;
	v6 =	vsel vm2, $0xB600, v4;
	v3 =	vsel vm5, $0x6C80, v3  }
0x19: {  	s10 =	simm.s32 $0x0;
	[smem:$0x7FF] =	sst s2;
	s6 =	sand.u32 $0x1, s3;
	v7 =	vsel vm2, $0xFE00, v5;
	v1 =	vsel vm1, $0x2680, v1;
	v3 =	vsel vm4, $0x6D00, v3  }
0x1a: {  	s4 =	sadd.s32 $0x400, s5;
	s3 =	stileid.u32;
	s7 =	ssub.s32 $0x2, s6;
	v2 =	vor.u32 $0x800, v0;
	v4 =	vor.u32 $0x1000, v0;
	v3 =	vsel vm3, $0x6D80, v3  }
0x1b: {  	s5 =	sadd.s32 $0x2800, s5;
	_ =	strace $0x80000047;
	s8 =	sshrl.u32 s7, $0x1;
	v6 =	vsel vm1, $0xB680, v6;
	v7 =	vsel vm1, $0xFE80, v7;
	v3 =	vsel vm2, $0x6E00, v3  }
0x1c: {  	s31 =	sshll.u32 s3, $0xA;
	s6 =	sshll.u32 s6, $0x9;
	s7 =	ssub.s32 s7, s8;
	v1 =	vsel vm0, $0x2700, v1;
	v5 =	vsel vm0, $0xB700, v6;
	v3 =	vsel vm1, $0x6E80, v3  }
0x1d: {  	s6 =	sor.u32 s6, s31;
	s8 =	simm.s32 $0x2000;
	s7 =	smax.u32 s7, $0x1;
	v6 =	vor.u32 $0x1800, v0;
	v7 =	vsel vm0, $0xFF00, v7;
	v3 =	vsel vm0, $0x6F00, v3  }
.LBB2_1:
0x1e: {  	[tilespmem:s8], [sflag:$0x1] =	stream.linear.gather [hbm4b:s4+s2], $0x12000, $0x38;
	[tilespmem:$0x14000] =	vst v63  }
0x1f: {  	_ =	swait.ge [sflag:s9], $0x12000  }
0x20: {  	[sflag:s9] =	ssyncset.done $0x0  }
0x21: {  	s11 =	simm.s32 $0x0;
	[sflag:s9] =	ssyncadd.s32 $0xFFFEE000  }
.LBB2_2:
0x22: {  	s13 =	simm.s32 $0x0  }
0x23: {  	v10 =	vmov s13  }
0x24: {  	s12 =	sshll.u32 s11, $0x6;
	v10 =	vand.u32 $0x7F, v10  }
0x25: {  	s12 =	sadd.s32 s6, s12;
	v12 =	vbroadcast v10, $0x0  }
0x26: {  	s14 =	sshll.u32 s12, $0x4  }
0x27: {  	s15 =	simm.s32 $0x3E8;
	s14 =	sadd.s32 s0, s14;
	v11 =	vor.u32 v0, v12  }
0x28: {  	v10 =	vmov s15;
	[tilespmem:s13], [sflag:$0x1] =	stream.linear.gather [hbm4b:s14+s13], $0x2000, $0x38;
	[tilespmem:$0x14000] =	vst v63  }
0x29: {  	v13 =	vshll.u32 v10, $0x3;
	_ =	swait.ge [sflag:s9], $0x2000  }
0x2a: {  	v10 =	vand.u32 $0x7F, v10;
	v13 =	vand.u32 $0x3C00, v13;
	[sflag:s9] =	ssyncset.done $0x0  }
0x2b: {  	v10 =	vor.u32 v10, v13;
	[sflag:s9] =	ssyncadd.s32 $0xFFFFE000  }
0x2c: {  	v13 =	vadd.s32 v1, v10;
	v11 =	vld.idx.msk [tilespmem:v11+s2+$0x0], $0xffff  }
0x2d: {  	v14 =	vor.u32 v2, v12;
	_ =	sdelay $0x3  }
0x2e: {  	[tilespmem:v13+s8+$0x0] =	vst.idx.msk $0xffff, v11  }
0x2f: {  	v13 =	vadd.s32 v3, v10;
	v11 =	vld.idx.msk [tilespmem:v14+s2+$0x0], $0xffff  }
0x30: {  	v14 =	vor.u32 v4, v12;
	_ =	sdelay $0x3  }
0x31: {  	[tilespmem:v13+s8+$0x0] =	vst.idx.msk $0xffff, v11  }
0x32: {  	v13 =	vadd.s32 v5, v10;
	v11 =	vld.idx.msk [tilespmem:v14+s2+$0x0], $0xffff  }
0x33: {  	v12 =	vor.u32 v6, v12;
	_ =	sdelay $0x1  }
0x34: {  	s13 =	simm.s32 $0x1  }
0x35: {  	s14 =	simm.s32 $0x2;
	v14 =	vmov s13  }
.LBB2_3:
0x36: {  	p0 =	sne.s32 s14, $0x63;
	v14 =	vand.u32 $0x7F, v14;
	[tilespmem:v13+s8+$0x0] =	vst.idx.msk $0xffff, v11  }
0x37: {  	v14 =	vbroadcast v14, $0x0;
	v11 =	vld.idx.msk [tilespmem:v12+s2+$0x0], $0xffff  }
0x38: {  	v10 =	vadd.s32 v7, v10  }
0x39: {  	v12 =	vor.u32 v0, v14  }
0x3a: {  	s15 =	sadd.s32 $0x3E8, s13;
	s13 =	smov.u32 s14  }
0x3b: {  	v13 =	vmov s15  }
0x3c: {  	v15 =	vshll.u32 v13, $0x3  }
0x3d: {  	v13 =	vand.u32 $0x7F, v13;
	v15 =	vand.u32 $0x3C00, v15;
	[tilespmem:v10+s8+$0x0] =	vst.idx.msk $0xffff, v11  }
0x3e: {  	v10 =	vor.u32 v13, v15;
	v11 =	vld.idx.msk [tilespmem:v12+s2+$0x0], $0xffff  }
0x3f: {  	v12 =	vadd.s32 v1, v10  }
0x40: {  	v13 =	vor.u32 v2, v14;
	_ =	sdelay $0x3  }
0x41: {  	[tilespmem:v12+s8+$0x0] =	vst.idx.msk $0xffff, v11  }
0x42: {  	v11 =	vld.idx.msk [tilespmem:v13+s2+$0x0], $0xffff  }
0x43: {  	v12 =	vadd.s32 v3, v10  }
0x44: {  	v13 =	vor.u32 v4, v14;
	_ =	sdelay $0x3  }
0x45: {  	[tilespmem:v12+s8+$0x0] =	vst.idx.msk $0xffff, v11  }
0x46: {  	v11 =	vld.idx.msk [tilespmem:v13+s2+$0x0], $0xffff  }
.Ltmp0:
0x47: {  	v13 =	vadd.s32 v5, v10;
	(pc) =	sbr.rel @p0 .LBB2_3-.Ltmp0, $2  }
0x48: {  	v12 =	vor.u32 v6, v14;
	_ =	sdelay $0x2  }
0x49: {  	s14 =	sadd.s32 $0x1, s14;
	v14 =	vmov s13  }
0x4a: {  	_ =	sdelay $0x2  }
0x4b: {  	v14 =	vand.u32 $0x7F, v14  }
0x4c: {  	[tilespmem:v13+s8+$0x0] =	vst.idx.msk $0xffff, v11;
	v11 =	vbroadcast v14, $0x0  }
0x4d: {  	v10 =	vadd.s32 v7, v10;
	v12 =	vld.idx.msk [tilespmem:v12+s2+$0x0], $0xffff  }
0x4e: {  	s13 =	sadd.s32 $0x3E8, s13;
	v46 =	vor.u32 v0, v11  }
0x4f: {  	v47 =	vmov s13  }
0x50: {  	v15 =	vshll.u32 v47, $0x3  }
0x51: {  	v14 =	vand.u32 $0x7F, v47;
	v15 =	vand.u32 $0x3C00, v15  }
0x52: {  	[tilespmem:v10+s8+$0x0] =	vst.idx.msk $0xffff, v12;
	v10 =	vor.u32 v14, v15  }
0x53: {  	v48 =	vadd.s32 v1, v10;
	v12 =	vld.idx.msk [tilespmem:v46+s2+$0x0], $0xffff  }
0x54: {  	v49 =	vor.u32 v2, v11;
	_ =	sdelay $0x3  }
0x55: {  	[tilespmem:v48+s8+$0x0] =	vst.idx.msk $0xffff, v12  }
0x56: {  	v50 =	vadd.s32 v3, v10;
	v12 =	vld.idx.msk [tilespmem:v49+s2+$0x0], $0xffff  }
0x57: {  	v51 =	vor.u32 v4, v11;
	_ =	sdelay $0x3  }
0x58: {  	[tilespmem:v50+s8+$0x0] =	vst.idx.msk $0xffff, v12  }
0x59: {  	v52 =	vadd.s32 v5, v10;
	v12 =	vld.idx.msk [tilespmem:v51+s2+$0x0], $0xffff  }
0x5a: {  	v11 =	vor.u32 v6, v11;
	_ =	sdelay $0x3  }
0x5b: {  	[tilespmem:v52+s8+$0x0] =	vst.idx.msk $0xffff, v12  }
0x5c: {  	v10 =	vadd.s32 v7, v10;
	v11 =	vld.idx.msk [tilespmem:v11+s2+$0x0], $0xffff;
	_ =	sdelay $0x4  }
0x5d: {  	[tilespmem:v10+s8+$0x0] =	vst.idx.msk $0xffff, v11  }
0x5e: {  	v10 =	vld.idx.msk [tilespmem:v0+s2+$0x0], $0xffff;
	_ =	sdelay $0x4  }
0x5f: {  	v10 =	vtrunc.f32 v10  }
0x60: {  	v10 =	vcvt.f32.s32 v10;
	_ =	sdelay $0x1  }
0x61: {  	v11 =	vshll.u32 v10, $0x3  }
0x62: {  	v53 =	vand.u32 $0x7F, v10;
	v11 =	vand.u32 $0xFFFFFC00, v11  }
0x63: {  	vm0 =	vlt.u32 v10, $0x3E8;
	v10 =	vor.u32 v53, v11  }
0x64: {  	v10 =	vadd.s32 v1, v10;
	_ =	sdelay $0x4  }
0x65: {  	[tilespmem:v10+s8+$0x0] =	vst.idx.msk vm0, v8  }
0x66: {  	v11 =	vld.idx.msk [tilespmem:v2+s2+$0x0], $0xffff;
	_ =	sdelay $0x4  }
0x67: {  	v11 =	vtrunc.f32 v11  }
0x68: {  	v11 =	vcvt.f32.s32 v11;
	_ =	sdelay $0x1  }
0x69: {  	v54 =	vshll.u32 v11, $0x3  }
0x6a: {  	v55 =	vand.u32 $0x7F, v11;
	v12 =	vand.u32 $0xFFFFFC00, v54  }
0x6b: {  	vm1 =	vlt.u32 v11, $0x3E8;
	v11 =	vor.u32 v55, v12  }
0x6c: {  	v11 =	vadd.s32 v3, v11;
	_ =	sdelay $0x4  }
0x6d: {  	[tilespmem:v11+s8+$0x0] =	vst.idx.msk vm1, v8  }
0x6e: {  	v56 =	vld.idx.msk [tilespmem:v4+s2+$0x0], $0xffff;
	_ =	sdelay $0x4  }
0x6f: {  	v12 =	vtrunc.f32 v56  }
0x70: {  	v12 =	vcvt.f32.s32 v12;
	_ =	sdelay $0x1  }
0x71: {  	v57 =	vshll.u32 v12, $0x3  }
0x72: {  	v58 =	vand.u32 $0x7F, v12;
	v13 =	vand.u32 $0xFFFFFC00, v57  }
0x73: {  	vm2 =	vlt.u32 v12, $0x3E8;
	v59 =	vor.u32 v58, v13  }
0x74: {  	v12 =	vadd.s32 v5, v59;
	_ =	sdelay $0x4  }
0x75: {  	[tilespmem:v12+s8+$0x0] =	vst.idx.msk vm2, v8  }
0x76: {  	v60 =	vld.idx.msk [tilespmem:v6+s2+$0x0], $0xffff;
	_ =	sdelay $0x4  }
0x77: {  	v13 =	vtrunc.f32 v60  }
0x78: {  	v13 =	vcvt.f32.s32 v13;
	_ =	sdelay $0x1  }
0x79: {  	v61 =	vshll.u32 v13, $0x3  }
0x7a: {  	v62 =	vand.u32 $0x7F, v13;
	v14 =	vand.u32 $0xFFFFFC00, v61  }
0x7b: {  	vm3 =	vlt.u32 v13, $0x3E8;
	v63 =	vor.u32 v62, v14  }
0x7c: {  	v13 =	vadd.s32 v7, v63;
	_ =	sdelay $0x1  }
0x7d: {  	s12 =	sshrl.u32 s12, $0x3  }
0x7e: {  	s12 =	smul.u32 $0x480, s12;
	_ =	sdelay $0x1  }
0x7f: {  	s12 =	sadd.s32 s5, s12;
	[tilespmem:v13+s8+$0x0] =	vst.idx.msk vm3, v8  }
0x80: {  	[hbm4b:s12+s2] =	stream.linear.scatter [tilespmem:s8], [sflag:$0x1], $0x12000, $0x38;
	[tilespmem:$0x14000] =	vst v63  }
0x81: {  	s11 =	sadd.s32 $0x1, s11;
	_ =	swait.ge [sflag:s9], $0x12000  }
0x82: {  	p0 =	sne.s32 s11, $0x8;
	[sflag:s9] =	ssyncset.done $0x0  }
.Ltmp1:
0x83: {  	[sflag:s9] =	ssyncadd.s32 $0xFFFEE000;
	(pc) =	sbr.rel @p0 .LBB2_2-.Ltmp1, $4  }
0x84: {  	[tilespmem:v10+s8+$0x0] =	vst.idx.msk vm0, v9  }
0x85: {  	[tilespmem:v11+s8+$0x0] =	vst.idx.msk vm1, v9  }
0x86: {  	[tilespmem:v12+s8+$0x0] =	vst.idx.msk vm2, v9  }
0x87: {  	[tilespmem:v13+s8+$0x0] =	vst.idx.msk vm3, v9  }
0x88: {  	s10 =	sadd.s32 $0x1, s10  }
0x89: {  	p0 =	sne.s32 s10, s7  }
.Ltmp2:
0x8a: {  	_ = 	snop;
	(pc) =	sbr.rel @p0 .LBB2_1-.Ltmp2, $1  }
0x8b: {  	_ =	sdelay $0x3  }
0x8c: {  	_ =	sfence.sel $0x180000  }
0x8d: {  	[bflag:$0x0] =	sbarrier.arrive $0xFFFF  }
0x8e: {  	p0 =	sne.s32 s3, $0x0;
	_ =	strace $0x90000047  }
0x8f: {  	s0 =	sadd.s32 @!p0 $0x100000, s1;
	[bflag:$0x2] =	sbarrier.arrive $0xFFFF  }
0x90: {  	[sflag:s0] =	ssyncadd.tile.s32 @!p0 $0x1;
	_ =	shalt  }
.Lfunc_end2:
_tile_overlayer_lowered:
.L_overlay_start_2:
0x91: {  	(tag) =	ssettag $0x2  }
0x92: {  	s0 =	rddreg [dreg:$0x0];
	s2 =	stileid.u32  }
0x93: {  	s1 =	rddreg [dreg:$0x1];
	p0 =	sne.s32 s2, $0x0  }
0x94: {  	s3 =	rddreg [dreg:$0x2];
	[bflag:$0x3] =	sbarrier.arrive $0xFFFF;
	s2 =	simm.s32 @!p0 $0x1C01  }
0x95: {  	[timem:s3], [sflag:s2] =	dma.local @!p0 [hbm:s0], s1  }
0x96: {  	s0 =	simm.s32 @!p0 $0x1  }
0x97: {  	_ =	swait.ge @!p0 [sflag:s0], s1  }
0x98: {  	s1 =	ssub.s32 @!p0 $0x0, s1;
	[sflag:s0] =	ssyncset.done @!p0 $0x0  }
0x99: {  	[sflag:s0] =	ssyncadd.s32 @!p0 s1  }
0x9a: {  	[bflag:$0x3] =	sbarrier.arrive $0xFFFF  }
0x9b: {  	_ =	shalt  }

</sc_bundles>
